<compile_context>
chip_gen: v7x
topology: tpu7x:2x2x1
jax: 0.10.2.dev20260603
libtpu: 0.0.44.dev20260713+nightly
codegen_flags: <defaults>
</compile_context>

<pallas_src>
import functools

import jax
import jax.numpy as jnp
from jax import lax
from jax.experimental import pallas as pl
from jax.experimental.pallas import tpu as pltpu
from jax.experimental.pallas import tpu_sc as plsc

N = 10000
E = 320000
D = 128
L = 16

NP = 10112

_info = plsc.get_sparse_core_info()
NC = _info.num_cores
NS = _info.num_subcores
NW = NC * NS
EPW = E // NW
WLEN = 10112


def _sc_body(nt_hbm, ei_hbm, traj_hbm, out_hbm,
             ed_v, traj_v, nt_v, acc_v, sem):
    cid = lax.axis_index("c")
    sid = lax.axis_index("s")
    wid = sid * NC + cid
    base = wid * EPW
    col0 = (base // 128) * 128
    off = base - col0
    d0 = pltpu.async_copy(ei_hbm.at[:, pl.ds(col0, WLEN)], ed_v, sem)
    d2 = pltpu.async_copy(traj_hbm.at[pl.ds(base, EPW)], traj_v, sem)
    d3 = pltpu.async_copy(nt_hbm, nt_v, sem)

    zeros = jnp.zeros((L,), jnp.float32)

    @plsc.parallel_loop(0, NP, L, unroll=4)
    def _zero(i):
        acc_v[0, pl.ds(i, L)] = zeros
        acc_v[1, pl.ds(i, L)] = zeros
        acc_v[2, pl.ds(i, L)] = zeros
        acc_v[3, pl.ds(i, L)] = zeros

    d0.wait()
    d2.wait()
    d3.wait()

    ones = jnp.ones((L,), jnp.float32)
    threes = jnp.full((L,), 3, jnp.int32)

    @plsc.parallel_loop(0, EPW, L, unroll=4)
    def _edges(i):
        s = ed_v[0, pl.ds(off + i, L)]
        d = ed_v[1, pl.ds(off + i, L)]
        t = traj_v[pl.ds(i, L)]
        ty = plsc.load_gather(nt_v, [s])
        plsc.addupdate_scatter(acc_v, [ty, d], ones)
        plsc.addupdate_scatter(acc_v, [threes, d], t)

    pltpu.sync_copy(acc_v, out_hbm.at[pl.ds(wid * 4, 4)])


def _sc_scatter(nt, ei, traj):
    mesh = plsc.VectorSubcoreMesh(core_axis_name="c", subcore_axis_name="s")
    fn = functools.partial(
        pl.kernel,
        mesh=mesh,
        out_type=jax.ShapeDtypeStruct((NW * 4, NP), jnp.float32),
        scratch_types=[
            pltpu.VMEM((2, WLEN), jnp.int32),
            pltpu.VMEM((EPW,), jnp.float32),
            pltpu.VMEM((N,), jnp.int32),
            pltpu.VMEM((4, NP), jnp.float32),
            pltpu.SemaphoreType.DMA,
        ],
        compiler_params=pltpu.CompilerParams(needs_layout_passes=False),
    )(_sc_body)
    return fn(nt, ei, traj)


def _tc_body(part_ref, nt_ref, Wes_ref, Wed_ref, wet_ref, Wn3_ref, WnD_ref,
             be_ref, bn_ref, out_ref):
    red = jnp.sum(part_ref[...].reshape(NW, 4, NP), axis=0)[:, :N]
    nt = nt_ref[...]
    tval = lax.broadcasted_iota(jnp.int32, (3, N), 0)
    nf = (tval == nt).astype(jnp.float32)
    deg = red[0:1] + red[1:2] + red[2:3]
    U = jnp.concatenate([red[0:3], deg, red[3:4], nf, deg * nf], axis=0)

    WnD = WnD_ref[...]
    cdim = (((0,), (1,)), ((), ()))
    A = lax.dot_general(Wes_ref[...], WnD, cdim,
                        preferred_element_type=jnp.float32)
    B = lax.dot_general(Wed_ref[...], WnD, cdim,
                        preferred_element_type=jnp.float32)
    c = lax.dot_general(wet_ref[...], WnD, cdim,
                        preferred_element_type=jnp.float32)
    d = lax.dot_general(be_ref[...], WnD, (((1,), (1,)), ((), ())),
                        preferred_element_type=jnp.float32)
    eye3 = (lax.broadcasted_iota(jnp.int32, (3, 3), 0) ==
            lax.broadcasted_iota(jnp.int32, (3, 3), 1)).astype(jnp.float32)
    Wn3T = lax.dot_general(eye3, Wn3_ref[...], (((1,), (1,)), ((), ())),
                           preferred_element_type=jnp.float32)
    W = jnp.concatenate([A, d, c, Wn3T, B], axis=0)

    out = lax.dot_general(U, W, (((0,), (0,)), ((), ())),
                          preferred_element_type=jnp.float32)
    out_ref[...] = out + bn_ref[...]


def kernel(node_type, edge_index, traj, We, be, Wn, bn):
    nt = node_type.astype(jnp.int32)
    ei = edge_index.astype(jnp.int32)
    part = _sc_scatter(nt, ei, traj)

    out = pl.pallas_call(
        _tc_body,
        out_shape=jax.ShapeDtypeStruct((N, D), jnp.float32),
    )(part, nt.reshape(1, N), We[:, 0:3], We[:, 3:6], We[:, 6:7],
      Wn[:, 0:3], Wn[:, 3:], be.reshape(1, D), bn.reshape(1, D))
    return out

# --- scband reference (transcript-rebuilt; emitter-appended) ---
"""Pipeline reference for scband-gnn-77627238908113 (READ-ONLY COPY).

The authoritative reference and input builder live on the scoring server;
editing this copy changes nothing except your own understanding.
"""

import jax, jax.numpy as jnp
import numpy as np

N = 10000
E = 320000
D = 128
NODE_DIM = 3

def setup_inputs(seed: int = 0) -> dict:
    key = jax.random.key(seed)
    ks = jax.random.split(key, 6)
    node_type = jax.random.randint(ks[0], (N,), 0, NODE_DIM)
    edge_index = jax.random.randint(ks[1], (2, E), 0, N)
    traj = jax.random.normal(ks[2], (E,), dtype=jnp.float32)
    # edge_embedding: Linear(node_dim*2 + 1 -> embedding_dim)
    We = jax.random.normal(ks[3], (D, NODE_DIM * 2 + 1), dtype=jnp.float32) * (1.0 / np.sqrt(NODE_DIM * 2 + 1))
    be = jnp.zeros((D,), dtype=jnp.float32)
    # node_embedding: Linear(embedding_dim + node_dim -> embedding_dim)
    Wn = jax.random.normal(ks[4], (D, D + NODE_DIM), dtype=jnp.float32) * (1.0 / np.sqrt(D + NODE_DIM))
    bn = jnp.zeros((D,), dtype=jnp.float32)
    return {"node_type": node_type, "edge_index": edge_index, "traj": traj,
            "We": We, "be": be, "Wn": Wn, "bn": bn}

def reference(node_type, edge_index, traj, We, be, Wn, bn):
    # nf = torch.eye(3)[g.ndata['type']]
    nf = jnp.eye(NODE_DIM, dtype=jnp.float32)[node_type]  # [N, 3]
    src = edge_index[0]
    dst = edge_index[1]
    # message_func: concat(src nf, dst nf, traj) -> edge_embedding
    ef = jnp.concatenate([nf[src], nf[dst], traj[:, None]], axis=-1)  # [E, 7]
    msg = ef @ We.T + be  # [E, D]
    # reduce_func: sum over incoming messages at dst
    red_msg = jax.ops.segment_sum(msg, dst, num_segments=N)  # [N, D]
    # apply_node_func: concat(nf, red_msg) -> node_embedding
    in_feat = jnp.concatenate([nf, red_msg], axis=-1)  # [N, 3 + D]
    out_nf = in_feat @ Wn.T + bn  # [N, D]
    return out_nf

if __name__ == "__main__":
    import jax
    _d = setup_inputs()
    print(jax.jit(kernel)(*tuple(_d.values())))

</pallas_src>

<mosaic_0001>
#map = affine_map<(d0, d1) -> (0)>
#map1 = affine_map<(d0, d1) -> (0, 0)>
module attributes {stable_mosaic.version = 14 : i64} {
  func.func @_sc_body(%arg0: i32, %arg1: i32, %arg2: memref<10000xi32, #tpu.memory_space<hbm>>, %arg3: memref<2x320000xi32, #tpu.memory_space<hbm>>, %arg4: memref<320000xf32, #tpu.memory_space<hbm>>, %arg5: memref<128x10112xf32, #tpu.memory_space<hbm>>, %arg6: memref<2x10112xi32, #tpu.memory_space<vmem>>, %arg7: memref<10000xf32, #tpu.memory_space<vmem>>, %arg8: memref<10000xi32, #tpu.memory_space<vmem>>, %arg9: memref<4x10112xf32, #tpu.memory_space<vmem>>, %arg10: memref<!tpu.dma_semaphore, #tpu.memory_space<semaphore_mem>>) attributes {dimension_semantics = [#tpu.dimension_semantics<core_parallel>, #tpu.dimension_semantics<subcore_parallel>], iteration_bounds = array<i64: 2, 16>, scalar_prefetch = 0 : i64, scratch_operands = 5 : i64, tpu.core_type = #tpu.core_type<sc_vector_subcore>, window_params = [{transform_indices = #map}, {transform_indices = #map1}, {transform_indices = #map}, {transform_indices = #map1}]} {
    %mul3A = arith.constant 2 : i32
    %mul3A_0 = arith.muli %arg1, %mul3A : i32
    %add3A = arith.addi %mul3A_0, %arg0 : i32
    %mul3A_1 = arith.constant 10000 : i32
    %mul3A_2 = arith.muli %add3A, %mul3A_1 : i32
    %jit3A = arith.constant 128 : i32
    %div3A = arith.divsi %mul3A_2, %jit3A : i32
    %sign3A = arith.constant 0 : i32
    %sign3A_3 = arith.cmpi sgt, %mul3A_2, %sign3A : i32
    %sign3A_4 = arith.extui %sign3A_3 : i1 to i32
    %sign3A_5 = arith.constant 0 : i32
    %sign3A_6 = arith.cmpi slt, %mul3A_2, %sign3A_5 : i32
    %sign3A_7 = arith.extui %sign3A_6 : i1 to i32
    %sign3A_8 = arith.subi %sign3A_4, %sign3A_7 : i32
    %sign3A_9 = arith.constant 0 : i32
    %sign3A_10 = arith.cmpi sgt, %jit3A, %sign3A_9 : i32
    %sign3A_11 = arith.extui %sign3A_10 : i1 to i32
    %sign3A_12 = arith.constant 0 : i32
    %sign3A_13 = arith.cmpi slt, %jit3A, %sign3A_12 : i32
    %sign3A_14 = arith.extui %sign3A_13 : i1 to i32
    %sign3A_15 = arith.subi %sign3A_11, %sign3A_14 : i32
    %ne3A = arith.cmpi ne, %sign3A_8, %sign3A_15 : i32
    %rem3A = arith.remsi %mul3A_2, %jit3A : i32
    %ne3A_16 = arith.constant 0 : i32
    %ne3A_17 = arith.cmpi ne, %rem3A, %ne3A_16 : i32
    %and3A = arith.andi %ne3A, %ne3A_17 : i1
    %sub3A = arith.constant 1 : i32
    %sub3A_18 = arith.subi %div3A, %sub3A : i32
    %select_n3A = arith.select %and3A, %sub3A_18, %div3A : i32
    %mul3A_19 = arith.constant 128 : i32
    %mul3A_20 = arith.muli %select_n3A, %mul3A_19 : i32
    %sub3A_21 = arith.subi %mul3A_2, %mul3A_20 : i32
    %dma_start3A = arith.constant 0 : i32
    %dma_start3A_22 = tpu.memref_slice %arg3[%dma_start3A, %mul3A_20] : memref<2x320000xi32, #tpu.memory_space<hbm>> -> memref<2x10112xi32, #tpu.memory_space<hbm>>
    %dma_start3A_23 = arith.constant 0 : i32
    %dma_start3A_24 = tpu.memref_slice %arg3[%dma_start3A_23, %mul3A_20] : memref<2x320000xi32, #tpu.memory_space<hbm>> -> memref<2x10112xi32, #tpu.memory_space<hbm>>
    tpu.enqueue_dma source(%dma_start3A_24 : memref<2x10112xi32, #tpu.memory_space<hbm>>) target(%arg6 : memref<2x10112xi32, #tpu.memory_space<vmem>>) target_semaphore(%arg10 : memref<!tpu.dma_semaphore, #tpu.memory_space<semaphore_mem>>)
    %dma_start3A_25 = tpu.memref_slice %arg4[%mul3A_2] : memref<320000xf32, #tpu.memory_space<hbm>> -> memref<10000xf32, #tpu.memory_space<hbm>>
    %dma_start3A_26 = tpu.memref_slice %arg4[%mul3A_2] : memref<320000xf32, #tpu.memory_space<hbm>> -> memref<10000xf32, #tpu.memory_space<hbm>>
    tpu.enqueue_dma source(%dma_start3A_26 : memref<10000xf32, #tpu.memory_space<hbm>>) target(%arg7 : memref<10000xf32, #tpu.memory_space<vmem>>) target_semaphore(%arg10 : memref<!tpu.dma_semaphore, #tpu.memory_space<semaphore_mem>>)
    tpu.enqueue_dma source(%arg2 : memref<10000xi32, #tpu.memory_space<hbm>>) target(%arg8 : memref<10000xi32, #tpu.memory_space<vmem>>) target_semaphore(%arg10 : memref<!tpu.dma_semaphore, #tpu.memory_space<semaphore_mem>>)
    %broadcast_in_dim3A = arith.constant 0.000000e+00 : f32
    %broadcast_in_dim3A_27 = vector.broadcast %broadcast_in_dim3A : f32 to vector<16xf32>
    %parallel_loop3A = arith.constant 0 : i32
    %parallel_loop3A_28 = arith.constant 10112 : i32
    %parallel_loop3A_29 = arith.constant 16 : i32
    scf.for %parallel_loop3A_44 = %parallel_loop3A to %parallel_loop3A_28 step %parallel_loop3A_29  : i32 {
      %parallel_loop3A_45 = arith.constant 0 : i32
      %parallel_loop3A_46 = arith.index_cast %parallel_loop3A_45 : i32 to index
      %parallel_loop3A_47 = arith.index_cast %parallel_loop3A_44 : i32 to index
      %parallel_loop3A_48 = tpu.vector_load %arg9[%parallel_loop3A_46, %parallel_loop3A_47] {strides = array<i32>} : memref<4x10112xf32, #tpu.memory_space<vmem>>, vector<16xf32>,
      tpu.vector_store %arg9[%parallel_loop3A_46, %parallel_loop3A_47], %broadcast_in_dim3A_27 {strides = array<i32>} : memref<4x10112xf32, #tpu.memory_space<vmem>>, vector<16xf32>,
      %parallel_loop3A_49 = arith.constant 1 : i32
      %parallel_loop3A_50 = arith.index_cast %parallel_loop3A_49 : i32 to index
      %parallel_loop3A_51 = arith.index_cast %parallel_loop3A_44 : i32 to index
      %parallel_loop3A_52 = tpu.vector_load %arg9[%parallel_loop3A_50, %parallel_loop3A_51] {strides = array<i32>} : memref<4x10112xf32, #tpu.memory_space<vmem>>, vector<16xf32>,
      tpu.vector_store %arg9[%parallel_loop3A_50, %parallel_loop3A_51], %broadcast_in_dim3A_27 {strides = array<i32>} : memref<4x10112xf32, #tpu.memory_space<vmem>>, vector<16xf32>,
      %parallel_loop3A_53 = arith.constant 2 : i32
      %parallel_loop3A_54 = arith.index_cast %parallel_loop3A_53 : i32 to index
      %parallel_loop3A_55 = arith.index_cast %parallel_loop3A_44 : i32 to index
      %parallel_loop3A_56 = tpu.vector_load %arg9[%parallel_loop3A_54, %parallel_loop3A_55] {strides = array<i32>} : memref<4x10112xf32, #tpu.memory_space<vmem>>, vector<16xf32>,
      tpu.vector_store %arg9[%parallel_loop3A_54, %parallel_loop3A_55], %broadcast_in_dim3A_27 {strides = array<i32>} : memref<4x10112xf32, #tpu.memory_space<vmem>>, vector<16xf32>,
      %parallel_loop3A_57 = arith.constant 3 : i32
      %parallel_loop3A_58 = arith.index_cast %parallel_loop3A_57 : i32 to index
      %parallel_loop3A_59 = arith.index_cast %parallel_loop3A_44 : i32 to index
      %parallel_loop3A_60 = tpu.vector_load %arg9[%parallel_loop3A_58, %parallel_loop3A_59] {strides = array<i32>} : memref<4x10112xf32, #tpu.memory_space<vmem>>, vector<16xf32>,
      tpu.vector_store %arg9[%parallel_loop3A_58, %parallel_loop3A_59], %broadcast_in_dim3A_27 {strides = array<i32>} : memref<4x10112xf32, #tpu.memory_space<vmem>>, vector<16xf32>,
    } {sc.loop_unroll_factor = 4 : i64, sc.parallel_access}
    %dma_wait3A = arith.constant 0 : i32
    %dma_wait3A_30 = tpu.memref_slice %arg3[%dma_wait3A, %mul3A_20] : memref<2x320000xi32, #tpu.memory_space<hbm>> -> memref<2x10112xi32, #tpu.memory_space<hbm>>
    %dma_wait3A_31 = arith.constant 0 : i32
    %dma_wait3A_32 = tpu.memref_slice %arg3[%dma_wait3A_31, %mul3A_20] : memref<2x320000xi32, #tpu.memory_space<hbm>> -> memref<2x10112xi32, #tpu.memory_space<hbm>>
    tpu.wait_dma2 semaphore(%arg10 : memref<!tpu.dma_semaphore, #tpu.memory_space<semaphore_mem>>) src(%dma_wait3A_32 : memref<2x10112xi32, #tpu.memory_space<hbm>>) dst(%arg6 : memref<2x10112xi32, #tpu.memory_space<vmem>>)
    %dma_wait3A_33 = tpu.memref_slice %arg4[%mul3A_2] : memref<320000xf32, #tpu.memory_space<hbm>> -> memref<10000xf32, #tpu.memory_space<hbm>>
    %dma_wait3A_34 = tpu.memref_slice %arg4[%mul3A_2] : memref<320000xf32, #tpu.memory_space<hbm>> -> memref<10000xf32, #tpu.memory_space<hbm>>
    tpu.wait_dma2 semaphore(%arg10 : memref<!tpu.dma_semaphore, #tpu.memory_space<semaphore_mem>>) src(%dma_wait3A_34 : memref<10000xf32, #tpu.memory_space<hbm>>) dst(%arg7 : memref<10000xf32, #tpu.memory_space<vmem>>)
    tpu.wait_dma2 semaphore(%arg10 : memref<!tpu.dma_semaphore, #tpu.memory_space<semaphore_mem>>) src(%arg2 : memref<10000xi32, #tpu.memory_space<hbm>>) dst(%arg8 : memref<10000xi32, #tpu.memory_space<vmem>>)
    %broadcast_in_dim3A_35 = arith.constant 1.000000e+00 : f32
    %broadcast_in_dim3A_36 = vector.broadcast %broadcast_in_dim3A_35 : f32 to vector<16xf32>
    %broadcast_in_dim3A_37 = arith.constant 3 : i32
    %broadcast_in_dim3A_38 = vector.broadcast %broadcast_in_dim3A_37 : i32 to vector<16xi32>
    %parallel_loop3A_39 = arith.constant 0 : i32
    %parallel_loop3A_40 = arith.constant 10000 : i32
    %parallel_loop3A_41 = arith.constant 16 : i32
    scf.for %parallel_loop3A_44 = %parallel_loop3A_39 to %parallel_loop3A_40 step %parallel_loop3A_41  : i32 {
      %parallel_loop3A_45 = arith.addi %sub3A_21, %parallel_loop3A_44 : i32
      %parallel_loop3A_46 = arith.constant 0 : i32
      %parallel_loop3A_47 = arith.index_cast %parallel_loop3A_46 : i32 to index
      %parallel_loop3A_48 = arith.index_cast %parallel_loop3A_45 : i32 to index
      %parallel_loop3A_49 = tpu.vector_load %arg6[%parallel_loop3A_47, %parallel_loop3A_48] {strides = array<i32>} : memref<2x10112xi32, #tpu.memory_space<vmem>>, vector<16xi32>,
      %parallel_loop3A_50 = arith.addi %sub3A_21, %parallel_loop3A_44 : i32
      %parallel_loop3A_51 = arith.constant 1 : i32
      %parallel_loop3A_52 = arith.index_cast %parallel_loop3A_51 : i32 to index
      %parallel_loop3A_53 = arith.index_cast %parallel_loop3A_50 : i32 to index
      %parallel_loop3A_54 = tpu.vector_load %arg6[%parallel_loop3A_52, %parallel_loop3A_53] {strides = array<i32>} : memref<2x10112xi32, #tpu.memory_space<vmem>>, vector<16xi32>,
      %parallel_loop3A_55 = arith.index_cast %parallel_loop3A_44 : i32 to index
      %parallel_loop3A_56 = tpu.vector_load %arg7[%parallel_loop3A_55] {strides = array<i32>} : memref<10000xf32, #tpu.memory_space<vmem>>, vector<16xf32>,
      %parallel_loop3A_57 = tpu.vector_load_idx %arg8[%parallel_loop3A_49] : memref<10000xi32, #tpu.memory_space<vmem>>[vector<16xi32>], vector<16xi32>,
      tpu.vector_store_idx %arg9[%parallel_loop3A_57, %parallel_loop3A_54], %broadcast_in_dim3A_36 {add = true} : memref<4x10112xf32, #tpu.memory_space<vmem>>[vector<16xi32>, vector<16xi32>], vector<16xf32>,
      tpu.vector_store_idx %arg9[%broadcast_in_dim3A_38, %parallel_loop3A_54], %parallel_loop3A_56 {add = true} : memref<4x10112xf32, #tpu.memory_space<vmem>>[vector<16xi32>, vector<16xi32>], vector<16xf32>,
    } {sc.loop_unroll_factor = 4 : i64, sc.parallel_access}
    %mul3A_42 = arith.constant 4 : i32
    %mul3A_43 = arith.muli %add3A, %mul3A_42 : i32
    "tpu.region"() ({
      %run_scoped3A = tpu.sem_alloc : memref<!tpu.dma_semaphore, #tpu.memory_space<semaphore_mem>>
      %dma_start3A_44 = arith.constant 0 : i32
      %dma_start3A_45 = tpu.memref_slice %arg5[%mul3A_43, %dma_start3A_44] : memref<128x10112xf32, #tpu.memory_space<hbm>> -> memref<4x10112xf32, #tpu.memory_space<hbm>>
      %dma_start3A_46 = arith.constant 0 : i32
      %dma_start3A_47 = tpu.memref_slice %arg5[%mul3A_43, %dma_start3A_46] : memref<128x10112xf32, #tpu.memory_space<hbm>> -> memref<4x10112xf32, #tpu.memory_space<hbm>>
      tpu.enqueue_dma source(%arg9 : memref<4x10112xf32, #tpu.memory_space<vmem>>) target(%dma_start3A_47 : memref<4x10112xf32, #tpu.memory_space<hbm>>) target_semaphore(%run_scoped3A : memref<!tpu.dma_semaphore, #tpu.memory_space<semaphore_mem>>)
      %dma_wait3A_48 = arith.constant 0 : i32
      %dma_wait3A_49 = tpu.memref_slice %arg5[%mul3A_43, %dma_wait3A_48] : memref<128x10112xf32, #tpu.memory_space<hbm>> -> memref<4x10112xf32, #tpu.memory_space<hbm>>
      %dma_wait3A_50 = arith.constant 0 : i32
      %dma_wait3A_51 = tpu.memref_slice %arg5[%mul3A_43, %dma_wait3A_50] : memref<128x10112xf32, #tpu.memory_space<hbm>> -> memref<4x10112xf32, #tpu.memory_space<hbm>>
      tpu.wait_dma2 semaphore(%run_scoped3A : memref<!tpu.dma_semaphore, #tpu.memory_space<semaphore_mem>>) src(%arg9 : memref<4x10112xf32, #tpu.memory_space<vmem>>) dst(%dma_wait3A_51 : memref<4x10112xf32, #tpu.memory_space<hbm>>)
      tpu.yield
    }) : () -> ()
    return
  }
}

module attributes {stable_mosaic.version = 14 : i64} {
  func.func @_tc_body(%arg0: memref<128x10112xf32, #tpu.memory_space<vmem>>, %arg1: memref<1x10000xi32, #tpu.memory_space<vmem>>, %arg2: memref<128x3xf32, #tpu.memory_space<vmem>>, %arg3: memref<128x3xf32, #tpu.memory_space<vmem>>, %arg4: memref<128x1xf32, #tpu.memory_space<vmem>>, %arg5: memref<128x3xf32, #tpu.memory_space<vmem>>, %arg6: memref<128x128xf32, #tpu.memory_space<vmem>>, %arg7: memref<1x128xf32, #tpu.memory_space<vmem>>, %arg8: memref<1x128xf32, #tpu.memory_space<vmem>>, %arg9: memref<10000x128xf32, #tpu.memory_space<vmem>>) attributes {dimension_semantics = [], scalar_prefetch = 0 : i64, scratch_operands = 0 : i64, tpu.core_type = #tpu.core_type<tc>} {
    %get3A = arith.constant 0 : index
    %get3A_0 = arith.constant 0 : index
    %get3A_1 = vector.load %arg0[%get3A, %get3A_0] : memref<128x10112xf32, #tpu.memory_space<vmem>>, vector<128x10112xf32>
    %reshape3A = vector.shape_cast %get3A_1 : vector<128x10112xf32> to vector<32x4x10112xf32>
    %reduce_sum3A = arith.constant dense<0.000000e+00> : vector<4x10112xf32>
    %reduce_sum3A_2 = vector.multi_reduction <add>, %reshape3A, %reduce_sum3A [0] : vector<32x4x10112xf32> to vector<4x10112xf32>
    %slice3A = vector.extract_strided_slice %reduce_sum3A_2 {offsets = [0, 0], sizes = [4, 10000], strides = [1, 1]} : vector<4x10112xf32> to vector<4x10000xf32>
    %get3A_3 = arith.constant 0 : index
    %get3A_4 = arith.constant 0 : index
    %get3A_5 = vector.load %arg1[%get3A_3, %get3A_4] : memref<1x10000xi32, #tpu.memory_space<vmem>>, vector<1x10000xi32>
    %iota3A = tpu.iota {dimensions = array<i32: 0>} : vector<3x10000xi32>
    %eq3A = vector.broadcast %get3A_5 : vector<1x10000xi32> to vector<3x10000xi32>
    %eq3A_6 = arith.cmpi eq, %iota3A, %eq3A : vector<3x10000xi32>
    %convert_element_type3A = arith.extui %eq3A_6 : vector<3x10000xi1> to vector<3x10000xi32>
    %convert_element_type3A_7 = arith.sitofp %convert_element_type3A : vector<3x10000xi32> to vector<3x10000xf32>
    %slice3A_8 = vector.extract_strided_slice %slice3A {offsets = [0, 0], sizes = [1, 10000], strides = [1, 1]} : vector<4x10000xf32> to vector<1x10000xf32>
    %slice3A_9 = vector.extract_strided_slice %slice3A {offsets = [1, 0], sizes = [1, 10000], strides = [1, 1]} : vector<4x10000xf32> to vector<1x10000xf32>
    %add3A = arith.addf %slice3A_8, %slice3A_9 : vector<1x10000xf32>
    %slice3A_10 = vector.extract_strided_slice %slice3A {offsets = [2, 0], sizes = [1, 10000], strides = [1, 1]} : vector<4x10000xf32> to vector<1x10000xf32>
    %add3A_11 = arith.addf %add3A, %slice3A_10 : vector<1x10000xf32>
    %slice3A_12 = vector.extract_strided_slice %slice3A {offsets = [0, 0], sizes = [3, 10000], strides = [1, 1]} : vector<4x10000xf32> to vector<3x10000xf32>
    %slice3A_13 = vector.extract_strided_slice %slice3A {offsets = [3, 0], sizes = [1, 10000], strides = [1, 1]} : vector<4x10000xf32> to vector<1x10000xf32>
    %mul3A = vector.broadcast %add3A_11 : vector<1x10000xf32> to vector<3x10000xf32>
    %mul3A_14 = arith.mulf %mul3A, %convert_element_type3A_7 : vector<3x10000xf32>
    %concatenate3A = tpu.concatenate %slice3A_12, %add3A_11, %slice3A_13, %convert_element_type3A_7, %mul3A_14 in 0 : vector<3x10000xf32>, vector<1x10000xf32>, vector<1x10000xf32>, vector<3x10000xf32>, vector<3x10000xf32> -> vector<11x10000xf32>
    %get3A_15 = arith.constant 0 : index
    %get3A_16 = arith.constant 0 : index
    %get3A_17 = vector.load %arg6[%get3A_15, %get3A_16] : memref<128x128xf32, #tpu.memory_space<vmem>>, vector<128x128xf32>
    %get3A_18 = arith.constant 0 : index
    %get3A_19 = arith.constant 0 : index
    %get3A_20 = vector.load %arg2[%get3A_18, %get3A_19] : memref<128x3xf32, #tpu.memory_space<vmem>>, vector<128x3xf32>
    %dot_general3A = arith.constant dense<0.000000e+00> : vector<3x128xf32>
    %dot_general3A_21 = tpu.matmul %get3A_20, %get3A_17, %dot_general3A {dimension_numbers = #tpu.dot_dimension_numbers<[0], [1], [1], [0], [0, 1, 1, 0], [], []>, transpose_lhs_hint = false} : vector<128x3xf32>, vector<128x128xf32>, vector<3x128xf32> -> vector<3x128xf32>
    %get3A_22 = arith.constant 0 : index
    %get3A_23 = arith.constant 0 : index
    %get3A_24 = vector.load %arg3[%get3A_22, %get3A_23] : memref<128x3xf32, #tpu.memory_space<vmem>>, vector<128x3xf32>
    %dot_general3A_25 = arith.constant dense<0.000000e+00> : vector<3x128xf32>
    %dot_general3A_26 = tpu.matmul %get3A_24, %get3A_17, %dot_general3A_25 {dimension_numbers = #tpu.dot_dimension_numbers<[0], [1], [1], [0], [0, 1, 1, 0], [], []>, transpose_lhs_hint = false} : vector<128x3xf32>, vector<128x128xf32>, vector<3x128xf32> -> vector<3x128xf32>
    %get3A_27 = arith.constant 0 : index
    %get3A_28 = arith.constant 0 : index
    %get3A_29 = vector.load %arg4[%get3A_27, %get3A_28] : memref<128x1xf32, #tpu.memory_space<vmem>>, vector<128x1xf32>
    %dot_general3A_30 = arith.constant dense<0.000000e+00> : vector<1x128xf32>
    %dot_general3A_31 = tpu.matmul %get3A_29, %get3A_17, %dot_general3A_30 {dimension_numbers = #tpu.dot_dimension_numbers<[0], [1], [1], [0], [0, 1, 1, 0], [], []>, transpose_lhs_hint = false} : vector<128x1xf32>, vector<128x128xf32>, vector<1x128xf32> -> vector<1x128xf32>
    %get3A_32 = arith.constant 0 : index
    %get3A_33 = arith.constant 0 : index
    %get3A_34 = vector.load %arg7[%get3A_32, %get3A_33] : memref<1x128xf32, #tpu.memory_space<vmem>>, vector<1x128xf32>
    %dot_general3A_35 = arith.constant dense<0.000000e+00> : vector<1x128xf32>
    %dot_general3A_36 = tpu.matmul %get3A_34, %get3A_17, %dot_general3A_35 {dimension_numbers = #tpu.dot_dimension_numbers<[1], [1], [0], [0], [0, 0, 1, 0], [], []>, transpose_lhs_hint = false} : vector<1x128xf32>, vector<128x128xf32>, vector<1x128xf32> -> vector<1x128xf32>
    %iota3A_37 = tpu.iota {dimensions = array<i32: 0>} : vector<3x3xi32>
    %iota3A_38 = tpu.iota {dimensions = array<i32: 1>} : vector<3x3xi32>
    %eq3A_39 = arith.cmpi eq, %iota3A_37, %iota3A_38 : vector<3x3xi32>
    %convert_element_type3A_40 = arith.extui %eq3A_39 : vector<3x3xi1> to vector<3x3xi32>
    %convert_element_type3A_41 = arith.sitofp %convert_element_type3A_40 : vector<3x3xi32> to vector<3x3xf32>
    %get3A_42 = arith.constant 0 : index
    %get3A_43 = arith.constant 0 : index
    %get3A_44 = vector.load %arg5[%get3A_42, %get3A_43] : memref<128x3xf32, #tpu.memory_space<vmem>>, vector<128x3xf32>
    %dot_general3A_45 = arith.constant dense<0.000000e+00> : vector<3x128xf32>
    %dot_general3A_46 = tpu.matmul %convert_element_type3A_41, %get3A_44, %dot_general3A_45 {dimension_numbers = #tpu.dot_dimension_numbers<[1], [1], [0], [0], [0, 0, 1, 0], [], []>, transpose_lhs_hint = false} : vector<3x3xf32>, vector<128x3xf32>, vector<3x128xf32> -> vector<3x128xf32>
    %concatenate3A_47 = tpu.concatenate %dot_general3A_21, %dot_general3A_36, %dot_general3A_31, %dot_general3A_46, %dot_general3A_26 in 0 : vector<3x128xf32>, vector<1x128xf32>, vector<1x128xf32>, vector<3x128xf32>, vector<3x128xf32> -> vector<11x128xf32>
    %dot_general3A_48 = arith.constant dense<0.000000e+00> : vector<10000x128xf32>
    %dot_general3A_49 = tpu.matmul %concatenate3A, %concatenate3A_47, %dot_general3A_48 {dimension_numbers = #tpu.dot_dimension_numbers<[0], [0], [1], [1], [0, 1, 1, 1], [], []>, transpose_lhs_hint = false} : vector<11x10000xf32>, vector<11x128xf32>, vector<10000x128xf32> -> vector<10000x128xf32>
    %get3A_50 = arith.constant 0 : index
    %get3A_51 = arith.constant 0 : index
    %get3A_52 = vector.load %arg8[%get3A_50, %get3A_51] : memref<1x128xf32, #tpu.memory_space<vmem>>, vector<1x128xf32>
    %add3A_53 = vector.broadcast %get3A_52 : vector<1x128xf32> to vector<10000x128xf32>
    %add3A_54 = arith.addf %dot_general3A_49, %add3A_53 : vector<10000x128xf32>
    %swap3A = arith.constant 0 : index
    %swap3A_55 = arith.constant 0 : index
    %swap3A_56 = vector.load %arg9[%swap3A, %swap3A_55] : memref<10000x128xf32, #tpu.memory_space<vmem>>, vector<10000x128xf32>
    tpu.vector_store %arg9[%swap3A, %swap3A_55], %add3A_54 {strides = array<i32>} : memref<10000x128xf32, #tpu.memory_space<vmem>>, vector<10000x128xf32>,
    return
  }
}

</mosaic_0001>

<sc_bundles>
// kernel: kernel.4.cloned.1.call-start
scs
__scs_entry_jumppad:
0x0: {  	(pc) =	sbr.rel $0x88, $3  }
0x1: {  	(tag) =	ssettag $0x0;
	lr =	simm.s32 $0x1  }
0x2: {  	[smem:$0x3F9A] =	sst lr;
	_ =	strace $0xD0000000  }
0x3: {  	_ = 	snop  }
0x4: {  	_ = 	snop  }
0x5: {  	_ = 	snop  }
0x6: {  	_ = 	snop  }
0x7: {  	_ = 	snop  }
__scs_overlays_trampoline_lowered:
0x8: {  	[smem:$0x3FA9] =	sst s0  }
0x9: {  	[smem:$0x3FAA] =	sst s1  }
0xa: {  	[smem:$0x3FAB] =	sst s2  }
0xb: {  	[smem:$0x3FAC] =	sst s3  }
0xc: {  	[smem:$0x3FAD] =	sst s4  }
0xd: {  	[smem:$0x3FAE] =	sst s5  }
0xe: {  	[smem:$0x3FAF] =	sst s6  }
0xf: {  	[smem:$0x3FB0] =	sst s7  }
0x10: {  	[smem:$0x3FB1] =	sst s8  }
0x11: {  	[smem:$0x3FB2] =	sst s9;
	s0 =	simm.s32 @!p0 $0x0  }
0x12: {  	s1 =	sld [smem:$0x3F98];
	s0 =	simm.s32 @p0 $0x1  }
0x13: {  	[smem:$0x3FB3] =	sst s0;
	s0 =	simm.s32 @!p1 $0x0  }
0x14: {  	s2 =	sld [smem:$0x3F97];
	s0 =	simm.s32 @p1 $0x1  }
0x15: {  	[smem:$0x3FB4] =	sst s0;
	s0 =	simm.s32 @!p2 $0x0  }
0x16: {  	s3 =	sld [smem:$0x3FDB];
	s0 =	simm.s32 @p2 $0x1  }
0x17: {  	s4 =	simm.s32 $0x1BF5;
	[smem:$0x3FB6] =	sst s0  }
0x18: {  	s0 =	sld [smem:$0x3F99];
	_ =	swait.ge [sflag:s4], $0x0  }
0x19: {  	s7 =	sld [smem:$0x3F9A]  }
0x1a: {  	s8 =	sadd.s32 $0xFFFFE003, lr  }
0x1b: {  	s9 =	sadd.s32 $0xFFFFFEF7, lr;
	s5 =	simm.s32 $0xFFFFFFFF;
	p2 =	slt.u32 s8, $0xFFFFF086  }
0x1c: {  	p1 =	slt.u32 s9, $0xF7A;
	s5 =	simm.s32 @!p2 $0x0  }
0x1d: {  	s5 =	simm.s32 @p1 $0x1;
	p0 =	seq.s32 s7, s2  }
0x1e: {  	s7 =	smul.u32 @!p0 $0xF7A, s2;
	p2 =	seq.s32 @!p0 s5, $0x0  }
0x1f: {  	s9 =	smul.u32 $0xF7A, s1;
	s8 =	simm.s32 @!p0 $0x1BF5;
	p2 =	por !p2, p0  }
0x20: {  	[sflag:s8] =	ssyncset.s32 @!p0 $0xFFFFF086;
	s6 =	sadd.s32 @!p0 s3, s7;
	s7 =	simm.s32 @!p0 $0x108  }
0x21: {  	s3 =	sadd.s32 s3, s9;
	s6 =	sadd.s32 @!p0 $0x88, s6;
	s7 =	simm.s32 @p2 $0x1082  }
0x22: {  	[simem:s7], [sflag:s8] =	dma.local @!p0 [hbm:s6], $0xF7A  }
0x23: {  	s9 =	sor.u32 $0xD0000000, s2;
	s6 =	simm.s32 $0x108;
	_ =	swait.ge @!p0 [sflag:s8], $0x0  }
0x24: {  	s3 =	sadd.s32 $0x88, s3;
	s6 =	simm.s32 @!p1 $0x1082;
	[sflag:s4] =	ssyncset.s32 $0xFFFFF086  }
0x25: {  	[simem:s6], [sflag:s4] =	dma.local [hbm:s3], $0xF7A  }
0x26: {  	[smem:$0x3F9A] =	sst s1;
	(tag) =	ssettag s2;
	_ =	strace s9  }
0x27: {  	s1 =	sld [smem:$0x3FAA]  }
0x28: {  	s2 =	sld [smem:$0x3FAB]  }
0x29: {  	s4 =	sld [smem:$0x3FAD]  }
0x2a: {  	p0 =	seq.s32 s5, $0x0;
	s5 =	sld [smem:$0x3FAE]  }
0x2b: {  	s6 =	sld [smem:$0x3FAF]  }
0x2c: {  	s7 =	sld [smem:$0x3FB0]  }
0x2d: {  	s3 =	simm.s32 $0x108;
	s8 =	sld [smem:$0x3FB1]  }
0x2e: {  	s3 =	simm.s32 @!p0 $0x1082;
	s9 =	sld [smem:$0x3FB2]  }
0x2f: {  	lr =	sadd.s32 s0, s3;
	s0 =	sld [smem:$0x3FA9]  }
0x30: {  	s3 =	sld [smem:$0x3FAC]  }
0x31: {  	[smem:$0x3FB5] =	sst s10  }
0x32: {  	s10 =	sld [smem:$0x3FB3];
	_ =	sdelay $0x3  }
0x33: {  	p0 =	seq.s32 s10, $0x1;
	s10 =	sld [smem:$0x3FB5];
	_ =	sdelay $0x3  }
0x34: {  	[smem:$0x3FB5] =	sst s10  }
0x35: {  	s10 =	sld [smem:$0x3FB4];
	_ =	sdelay $0x3  }
0x36: {  	p1 =	seq.s32 s10, $0x1;
	s10 =	sld [smem:$0x3FB5];
	_ =	sdelay $0x3  }
0x37: {  	[smem:$0x3FB5] =	sst s10  }
0x38: {  	s10 =	sld [smem:$0x3FB6]  }
0x39: {  	_ = 	snop;
	(pc) =	sbr.ind lr, $3  }
0x3a: {  	_ = 	snop  }
0x3b: {  	_ = 	snop  }
0x3c: {  	p2 =	seq.s32 s10, $0x1;
	s10 =	sld [smem:$0x3FB5]  }
0x3d: {  	_ =	shalt  }
0x3e: {  	_ =	shalt  }
0x3f: {  	_ =	shalt  }
0x40: {  	_ =	shalt  }
0x41: {  	_ =	shalt  }
0x42: {  	_ =	shalt  }
0x43: {  	_ =	shalt  }
0x44: {  	_ =	shalt  }
0x45: {  	_ =	shalt  }
0x46: {  	_ =	shalt  }
0x47: {  	_ =	shalt  }
0x48: {  	_ =	shalt  }
0x49: {  	_ =	shalt  }
0x4a: {  	_ =	shalt  }
0x4b: {  	_ =	shalt  }
0x4c: {  	_ =	shalt  }
0x4d: {  	_ =	shalt  }
0x4e: {  	_ =	shalt  }
0x4f: {  	_ =	shalt  }
0x50: {  	_ =	shalt  }
0x51: {  	_ =	shalt  }
0x52: {  	_ =	shalt  }
0x53: {  	_ =	shalt  }
0x54: {  	_ =	shalt  }
0x55: {  	_ =	shalt  }
0x56: {  	_ =	shalt  }
0x57: {  	_ =	shalt  }
0x58: {  	_ =	shalt  }
0x59: {  	_ =	shalt  }
0x5a: {  	_ =	shalt  }
0x5b: {  	_ =	shalt  }
0x5c: {  	_ =	shalt  }
0x5d: {  	_ =	shalt  }
0x5e: {  	_ =	shalt  }
0x5f: {  	_ =	shalt  }
0x60: {  	_ =	shalt  }
0x61: {  	_ =	shalt  }
0x62: {  	_ =	shalt  }
0x63: {  	_ =	shalt  }
0x64: {  	_ =	shalt  }
0x65: {  	_ =	shalt  }
0x66: {  	_ =	shalt  }
0x67: {  	_ =	shalt  }
0x68: {  	_ =	shalt  }
0x69: {  	_ =	shalt  }
0x6a: {  	_ =	shalt  }
0x6b: {  	_ =	shalt  }
0x6c: {  	_ =	shalt  }
0x6d: {  	_ =	shalt  }
0x6e: {  	_ =	shalt  }
0x6f: {  	_ =	shalt  }
0x70: {  	_ =	shalt  }
0x71: {  	_ =	shalt  }
0x72: {  	_ =	shalt  }
0x73: {  	_ =	shalt  }
0x74: {  	_ =	shalt  }
0x75: {  	_ =	shalt  }
0x76: {  	_ =	shalt  }
0x77: {  	_ =	shalt  }
0x78: {  	_ =	shalt  }
0x79: {  	_ =	shalt  }
0x7a: {  	_ =	shalt  }
0x7b: {  	_ =	shalt  }
0x7c: {  	_ =	shalt  }
0x7d: {  	_ =	shalt  }
0x7e: {  	_ =	shalt  }
0x7f: {  	_ =	shalt  }
0x80: {  	_ =	shalt  }
0x81: {  	_ =	shalt  }
0x82: {  	_ =	shalt  }
0x83: {  	_ =	shalt  }
0x84: {  	_ =	shalt  }
0x85: {  	_ =	shalt  }
0x86: {  	_ =	shalt  }
0x87: {  	_ =	shalt  }
.Lfunc_end0:
.L_simem_size_0:
called_computation_lowered:
.L_overlay_start_0:
0x88: {  	s2 =	sld [smem:$0x3FD9]  }
0x89: {  	s3 =	sld [smem:$0x3FFE];
	_ =	sdelay $0x1  }
0x8a: {  	s1 =	srdreg.scid  }
0x8b: {  	s0 =	sand.u32 $0x1, s1  }
0x8c: {  	s17 =	sshll.u32 s0, $0xA;
	s2 =	sadd.s32 s3, s2  }
0x8d: {  	s2 =	sadd.s32 s2, s17  }
0x8e: {  	[smem:$0x3FC1] =	sst s2  }
0x8f: {  	_ = 	snop  }
0x90: {  	s2 =	sld [smem:$0x3FC9]  }
0x91: {  	s18 =	sld [smem:$0x3FC8]  }
0x92: {  	s4 =	sld [smem:$0x3FC7];
	(tm) =	ssettm $0x1  }
0x93: {  	s5 =	sld [smem:$0x3FFB];
	_ =	sdelay $0x3  }
0x94: {  	_ =	strace s5  }
0x95: {  	s5 =	sld [smem:$0x3FFC];
	_ =	sdelay $0x3  }
0x96: {  	_ =	strace s5  }
0x97: {  	s5 =	sld [smem:$0x3FFD];
	_ =	sdelay $0x3  }
0x98: {  	_ =	strace s5  }
0x99: {  	_ =	strace $0x8FFFFFFF  }
0x9a: {  	s19 =	sld [smem:$0x3FDB];
	_ =	sdelay $0x1  }
0x9b: {  	s6 =	simm.s32 $_scs_section_size  }
0x9c: {  	s7 =	simm.s32 $_size__tile_overlayer_lowered;
	s8 =	simm.s32 $_tile_overlayer_lowered  }
0x9d: {  	s22 =	simm.s32 $0x1BFF;
	s21 =	sshll.u32 s8, $0x1;
	s5 =	sadd.s32 s6, s19  }
0x9e: {  	s9 =	simm.s32 $0x0;
	s20 =	sshll.u32 s7, $0x1;
	s7 =	sadd.s32 s21, s5  }
0x9f: {  	[timem:s9], [sflag:s22] =	dma.local [hbm:s7], s20  }
0xa0: {  	_ =	swait.ge [sflag:s22], s20  }
0xa1: {  	s6 =	ssub.s32 $0x0, s20;
	[sflag:s22] =	ssyncset.done $0x0  }
0xa2: {  	[sflag:s22] =	ssyncadd.s32 s6;
	_ =	sdelay $0x1  }
0xa3: {  	s23 =	simm.s32 $0x1B8B  }
0xa4: {  	_ =	swait.ge [sflag:s23], $0x1  }
0xa5: {  	[sflag:s23] =	ssyncset.done $0x0  }
0xa6: {  	s25 =	simm.s32 $0x1B8E;
	s24 =	sld [smem:$0x3FFE];
	[sflag:s23] =	ssyncadd.s32 $0xFFFFFFFF  }
0xa7: {  	s26 =	simm.s32 $execute0_lowered;
	[smem:$0x3FD2] =	sst s25  }
0xa8: {  	s7 =	sshll.u32 s26, $0x1;
	_ =	strace $0x80000046;
	[dreg:$0x1] =	wrdreg $0xFFFFFFFF  }
0xa9: {  	s28 =	simm.s32 $_size_execute0_lowered;
	s5 =	sadd.s32 s5, s7;
	[dreg:$0x0] =	wrdreg $0x0  }
0xaa: {  	s7 =	sshll.u32 s28, $0x1;
	[dreg:$0x2] =	wrdreg s5  }
0xab: {  	[dreg:$0x3] =	wrdreg s7  }
0xac: {  	[dreg:$0x4] =	wrdreg $0xC0  }
0xad: {  	_ =	task [dreg:s9], $0x5FFFF  }
0xae: {  	[dreg:$0x1] =	wrdreg $0xFFFFFFFF  }
0xaf: {  	[dreg:$0x0] =	wrdreg $0x60  }
0xb0: {  	[dreg:$0x2] =	wrdreg s2  }
0xb1: {  	[dreg:$0x3] =	wrdreg s18  }
0xb2: {  	[dreg:$0x4] =	wrdreg s4  }
0xb3: {  	[dreg:$0x5] =	wrdreg s24  }
0xb4: {  	[dreg:$0x6] =	wrdreg $0x9  }
0xb5: {  	_ =	task.clear_ibuf [dreg:s9], $0x7FFFF;
	_ =	strace $0x90000046  }
0xb6: {  	s29 =	simm.s32 $0x9;
	_ =	strace $0x80000048  }
0xb7: {  	_ =	swait.ge [sflag:s29], $0x1  }
0xb8: {  	[sflag:s29] =	ssyncadd.s32 $0xFFFFFFFF  }
0xb9: {  	_ =	strace $0x90000048  }
0xba: {  	_ =	sfence  }
0xbb: {  	s30 =	sld [smem:$0x0];
	_ =	sdelay $0x2  }
0xbc: {  	s31 =	sshll.u32 s1, $0xD;
	s1 =	sshrl.u32 s1, $0x2  }
0xbd: {  	s3 =	sand.u32 $0x4000, s31;
	s1 =	sadd.s32 s1, s30  }
0xbe: {  	s0 =	sor.u32 s3, s0;
	s1 =	sshll.u32 s1, $0x11  }
0xbf: {  	s0 =	sor.u32 s1, s0  }
0xc0: {  	s0 =	sadd.s32 $0x8F2B, s0  }
0xc1: {  	[sflag:s0] =	ssyncadd.remote.s32 $0x1  }
0xc2: {  	_ =	sfence.sel $0xFFFF  }
0xc3: {  	[dreg:$0x0] =	wrdreg $0xFFFFFFFF;
	(pc) =	sbr.abs _section_cstart, $3  }
0xc4: {  	[dreg:$0x1] =	wrdreg $0xFFFFFFFF  }
0xc5: {  	_ =	task.clear_ibuf [dreg:s9], $0x2FFFF;
	_ =	strace $0x9FFFFFFF  }
0xc6: {  	(tm) =	ssettm $0x7FFFFFFF  }
0xc7: {  	_ =	shalt  }
tec
execute0_lowered:
.L_overlay_start_1:
0x0: {  	(tag) =	ssettag $0x1  }
0x1: {  	s1 =	rddreg [dreg:$0x0]  }
0x2: {  	s5 =	rddreg [dreg:$0x1]  }
0x3: {  	s6 =	rddreg [dreg:$0x2]  }
0x4: {  	s4 =	rddreg [dreg:$0x3]  }
0x5: {  	s0 =	rddreg [dreg:$0x4]  }
0x6: {  	s7 =	srdreg.scid;
	s2 =	stileid.u32  }
0x7: {  	s3 =	simm.s32 $0x0;
	s13 =	simm.s32 $0x1;
	s14 =	simm.s32 $0x9E00  }
0x8: {  	s15 =	simm.s32 $0x200;
	s16 =	simm.s32 $0x400;
	s17 =	simm.s32 $0x2  }
0x9: {  	s18 =	simm.s32 $0x0;
	s7 =	sand.u32 $0x1, s7;
	s9 =	smul.u32 $0x13C00, s2  }
0xa: {  	s8 =	sshll.u32 s2, $0x1;
	[smem:$0x7FF] =	sst s3;
	s11 =	smul.u32 $0x4E20, s2  }
0xb: {  	s8 =	sor.u32 s7, s8;
	_ =	strace $0x80000047;
	s10 =	sshll.u32 s7, $0x9  }
0xc: {  	s29 =	ssub.s32 $0x2, s7;
	s7 =	smul.u32 $0x2710, s7;
	s9 =	sor.u32 s10, s9  }
0xd: {  	s8 =	smul.u32 $0x2710, s8;
	s12 =	sshrl.u32 s29, $0x1;
	s9 =	sshrl.u32 s9, $0x3  }
0xe: {  	s10 =	ssub.s32 s29, s12;
	s7 =	sadd.s32 s7, s11;
	s9 =	sadd.s32 s9, s4  }
0xf: {  	s30 =	sshrl.u32 s8, $0x2;
	s4 =	sand.u32 $0x70, s8;
	s8 =	sshrl.u32 s8, $0x3  }
0x10: {  	s11 =	sshrl.u32 s7, $0x4;
	s12 =	sand.u32 $0x1FFE0, s30;
	s6 =	sadd.s32 s6, s8  }
0x11: {  	s7 =	sadd.s32 $0x1600, s9;
	s11 =	sand.u32 $0x7, s11;
	s8 =	smax.u32 s10, $0x1  }
0x12: {  	s5 =	sadd.s32 s5, s12;
	s9 =	sshll.u32 s11, $0x4;
	s31 =	sshll.u32 s11, $0x5  }
0x13: {  	v0 =	vimm.f32 $0.0e+00;
	v1 =	vimm.f32 $1.000000000e+00;
	s11 =	simm.s32 $0x4F00;
	s12 =	simm.s32 $0x7680;
	s10 =	sadd.s32 $0x60, s31  }
.LBB2_1:
0x14: {  	[tilespmem:s3], [sflag:$0x1] =	stream.linear.gather [hbm4b:s5+s3], $0x4F00, $0x38;
	[tilespmem:$0x13C00] =	vst v63  }
0x15: {  	s19 =	simm.s32 $0x0  }
0x16: {  	s21 =	sand.u32 $0xFE00, s3;
	s20 =	sand.u32 $0x40, s19  }
0x17: {  	[tilespmem:s11], [sflag:$0x1] =	stream.linear.gather [hbm4b:s6+s3], $0x2710, $0x38;
	[tilespmem:$0x13C00] =	vst v63  }
0x18: {  	s20 =	sor.u32 s20, s21  }
0x19: {  	[tilespmem:s12], [sflag:$0x1] =	stream.linear.gather [hbm4b:s1+s3], $0x2780, $0x38;
	[tilespmem:$0x13C00] =	vst v63  }
0x1a: {  	[tilespmem:s20+$0x9EB0] =	vst v0  }
0x1b: {  	[tilespmem:s20+$0x9E30] =	vst v0  }
0x1c: {  	[tilespmem:s20+$0x9E20] =	vst v0  }
0x1d: {  	p0 =	por $0x0, $0x0;
	s21 =	simm.s32 $0x1;
	[tilespmem:s20+$0x9E90] =	vst v0  }
0x1e: {  	s21 =	simm.s32 @!p0 $0x0;
	[tilespmem:s20+$0x9E80] =	vst v0  }
0x1f: {  	s21 =	sshll.u32 s21, $0x6;
	[tilespmem:s20+$0x9EA0] =	vst v0  }
0x20: {  	s21 =	sadd.s32 $0x0, s21;
	[tilespmem:s20+$0x9E10] =	vst v0  }
0x21: {  	[tilespmem:s20+$0x9E00] =	vst v0;
	s22 =	sadd.s32 $0x20, s21;
	s25 =	sor.u32 $0x100, s21  }
0x22: {  	s29 =	sadd.s32 $0x10, s21;
	s23 =	sor.u32 $0x100, s22;
	[tilespmem:s25+$0x9E00] =	vst v0  }
0x23: {  	s30 =	sor.u32 $0x100, s29;
	[tilespmem:s23+$0x9E00] =	vst v0  }
0x24: {  	p0 =	por !p0, !p0;
	s22 =	sor.u32 $0x180, s22;
	[tilespmem:s30+$0x9E00] =	vst v0  }
0x25: {  	s20 =	simm.s32 $0x0;
	s24 =	sadd.s32 $0x30, s21;
	s31 =	sor.u32 $0x180, s29;
	[tilespmem:s22+$0x9E00] =	vst v0  }
0x26: {  	s23 =	sor.u32 $0x100, s24;
	s22 =	sor.u32 $0x180, s21;
	s21 =	sor.u32 $0x180, s24;
	[tilespmem:s31+$0x9E00] =	vst v0  }
.LBB2_2:
0x27: {  	s24 =	simm.s32 $0x1  }
0x28: {  	s19 =	sadd.s32 $0x40, s19;
	[tilespmem:s23+$0x9E00] =	vst v0;
	s20 =	sadd.s32 $0x100, s20;
	s24 =	simm.s32 @!p0 $0x0  }
0x29: {  	s25 =	sand.u32 $0xFE00, s20;
	s23 =	sshll.u32 s24, $0x6;
	s24 =	sand.u32 $0x40, s19;
	[tilespmem:s22+$0x9E00] =	vst v0  }
0x2a: {  	p1 =	slt.u32 s19, $0x2740;
	s22 =	sadd.s32 s23, s20;
	s23 =	sor.u32 s24, s25;
	[tilespmem:s21+$0x9E00] =	vst v0  }
0x2b: {  	s24 =	sadd.s32 $0x10, s22;
	s25 =	sadd.s32 $0x20, s22;
	[tilespmem:s23+$0x9EB0] =	vst v0;
	s26 =	sadd.s32 $0x30, s22  }
0x2c: {  	s28 =	sor.u32 $0x100, s22;
	s22 =	sor.u32 $0x180, s22;
	[tilespmem:s23+$0x9E30] =	vst v0;
	s21 =	sor.u32 $0x180, s26  }
0x2d: {  	[tilespmem:s23+$0x9E20] =	vst v0  }
0x2e: {  	[tilespmem:s23+$0x9E90] =	vst v0  }
0x2f: {  	s29 =	sor.u32 $0x100, s24;
	s30 =	sor.u32 $0x100, s25;
	[tilespmem:s23+$0x9E80] =	vst v0  }
0x30: {  	s24 =	sor.u32 $0x180, s24;
	s25 =	sor.u32 $0x180, s25;
	[tilespmem:s23+$0x9EA0] =	vst v0  }
0x31: {  	[tilespmem:s30+$0x9E00] =	vst v0  }
0x32: {  	[tilespmem:s25+$0x9E00] =	vst v0  }
.Ltmp0:
0x33: {  	[tilespmem:s23+$0x9E10] =	vst v0;
	(pc) =	sbr.rel @p1 .LBB2_2-.Ltmp0, $4  }
0x34: {  	[tilespmem:s29+$0x9E00] =	vst v0  }
0x35: {  	[tilespmem:s23+$0x9E00] =	vst v0  }
0x36: {  	[tilespmem:s28+$0x9E00] =	vst v0  }
0x37: {  	p0 =	por !p0, !p0;
	s23 =	sor.u32 $0x100, s26;
	[tilespmem:s24+$0x9E00] =	vst v0  }
0x38: {  	[tilespmem:s23+$0x9E00] =	vst v0  }
0x39: {  	[tilespmem:s22+$0x9E00] =	vst v0  }
0x3a: {  	[tilespmem:s21+$0x9E00] =	vst v0  }
0x3b: {  	_ =	swait.ge [sflag:s13], $0x4F00  }
0x3c: {  	[sflag:s13] =	ssyncset.done $0x0  }
0x3d: {  	[sflag:s13] =	ssyncadd.s32 $0xFFFFB100  }
0x3e: {  	_ =	swait.ge [sflag:s13], $0x2710  }
0x3f: {  	[sflag:s13] =	ssyncset.done $0x0  }
0x40: {  	s19 =	sadd.s32 $0xFFFFFFC0, s9;
	[sflag:s13] =	ssyncadd.s32 $0xFFFFD8F0  }
0x41: {  	s26 =	sand.u32 $0xFF00, s10;
	s20 =	sadd.s32 $0x70, s19;
	_ =	swait.ge [sflag:s13], $0x2780  }
0x42: {  	s30 =	sadd.s32 $0xFFFFFFA0, s10;
	s20 =	sand.u32 $0x70, s20;
	[sflag:s13] =	ssyncset.done $0x0  }
0x43: {  	s24 =	sadd.s32 $0xFFFFFFC0, s10;
	s20 =	sor.u32 s20, s26;
	[sflag:s13] =	ssyncadd.s32 $0xFFFFD880  }
0x44: {  	s31 =	sadd.s32 $0xFFFFFFE0, s10;
	s28 =	sadd.s32 $0x40, s19;
	s29 =	sadd.s32 $0x50, s19;
	v2 =	vld [tilespmem:s20+$0x0]  }
0x45: {  	s23 =	sand.u32 $0xFF00, s30;
	s24 =	sand.u32 $0xFF00, s24;
	s21 =	sand.u32 $0x70, s28  }
0x46: {  	s19 =	sadd.s32 $0x60, s19;
	s22 =	sand.u32 $0x70, s29;
	s21 =	sor.u32 s21, s23  }
0x47: {  	s19 =	sand.u32 $0x70, s19;
	s22 =	sor.u32 s22, s24;
	s23 =	sand.u32 $0xFF00, s31;
	v3 =	vld [tilespmem:s21+$0x0]  }
0x48: {  	s19 =	sor.u32 s19, s23;
	v4 =	vld [tilespmem:s22+$0x0]  }
0x49: {  	v6 =	vld [tilespmem:s19+$0x0]  }
0x4a: {  	v5 =	vld [tilespmem:s20+$0x80]  }
0x4b: {  	v7 =	vld [tilespmem:s21+$0x80]  }
0x4c: {  	v2 =	vld.idx.msk [tilespmem:v2+s12+$0x0], $0xffff  }
0x4d: {  	v9 =	vld [tilespmem:s22+$0x80]  }
0x4e: {  	s24 =	sadd.s32 $0x0, s9;
	v11 =	vld [tilespmem:s19+$0x80]  }
0x4f: {  	s26 =	sadd.s32 $0x70, s24;
	s20 =	sadd.s32 $0x80, s10;
	v3 =	vld.idx.msk [tilespmem:v3+s12+$0x0], $0xffff  }
0x50: {  	s22 =	sand.u32 $0x70, s26;
	s28 =	sand.u32 $0xFF00, s20;
	v4 =	vld.idx.msk [tilespmem:v4+s12+$0x0], $0xffff  }
0x51: {  	s22 =	sor.u32 s22, s28;
	v6 =	vld.idx.msk [tilespmem:v6+s12+$0x0], $0xffff;
	v8 =	vshrl.u32 v2, $0x2  }
0x52: {  	s19 =	simm.s32 $0x4F20;
	v12 =	vld [tilespmem:s22+$0x0];
	v10 =	vshll.u32 v5, $0x2;
	v5 =	vand.u32 $0x7F, v5;
	v8 =	vmul.u32 $0x9E00, v8  }
0x53: {  	s29 =	sadd.s32 $0x40, s24;
	v15 =	vld [tilespmem:s19+$0xFFFFFFE0];
	s25 =	sadd.s32 $0xFFFFFFA0, s20;
	v13 =	vand.u32 $0x7F, v9;
	v10 =	vand.u32 $0xFFFFFE00, v10;
	v2 =	vshll.u32 v2, $0x7  }
0x54: {  	s30 =	sadd.s32 $0x50, s24;
	s23 =	sand.u32 $0x70, s29;
	v17 =	vld [tilespmem:s19+$0xFFFFFFF0];
	s25 =	sand.u32 $0xFF00, s25;
	v14 =	vshll.u32 v11, $0x2;
	v2 =	vand.u32 $0x180, v2;
	v8 =	vadd.s32 v10, v8  }
0x55: {  	s21 =	sadd.s32 $0x60, s24;
	s26 =	sadd.s32 $0xFFFFFFC0, s20;
	s23 =	sor.u32 s23, s25;
	v27 =	vld [tilespmem:s22+$0x80];
	v16 =	vshrl.u32 v3, $0x2;
	v18 =	vshrl.u32 v4, $0x2;
	v2 =	vor.u32 v2, v8  }
0x56: {  	s24 =	sand.u32 $0x70, s30;
	s28 =	sadd.s32 $0xFFFFFFE0, s20;
	s26 =	sand.u32 $0xFF00, s26;
	v19 =	vld [tilespmem:s23+$0x0];
	v20 =	vshrl.u32 v6, $0x2;
	v2 =	vor.u32 v5, v2;
	v5 =	vor.u32 v10, v5  }
0x57: {  	s21 =	sand.u32 $0x70, s21;
	s24 =	sor.u32 s24, s26;
	s31 =	sand.u32 $0xFF00, s28;
	v3 =	vshll.u32 v3, $0x7;
	v4 =	vshll.u32 v4, $0x7;
	v8 =	vld [tilespmem:s19+$0x10];
	v5 =	vor.u32 $0x180, v5  }
0x58: {  	s21 =	sor.u32 s21, s31;
	v21 =	vld [tilespmem:s24+$0x0];
	v6 =	vshll.u32 v6, $0x7;
	v16 =	vmul.u32 $0x9E00, v16;
	v18 =	vmul.u32 $0x9E00, v18  }
0x59: {  	v22 =	vld [tilespmem:s21+$0x0];
	v20 =	vmul.u32 $0x9E00, v20;
	v3 =	vand.u32 $0x180, v3;
	v10 =	vshll.u32 v7, $0x2  }
0x5a: {  	v23 =	vld.idx.msk [tilespmem:v12+s12+$0x0], $0xffff;
	v4 =	vand.u32 $0x180, v4;
	v7 =	vand.u32 $0x7F, v7;
	v10 =	vand.u32 $0xFFFFFE00, v10  }
0x5b: {  	[tilespmem:v2+s14+$0x0] =	vst.idx.add.f32.msk $0xffff, v1;
	v2 =	vshll.u32 v9, $0x2;
	v9 =	vor.u32 v10, v7;
	v10 =	vadd.s32 v10, v16  }
0x5c: {  	[tilespmem:v5+s14+$0x0] =	vst.idx.add.f32.msk $0xffff, v8;
	v5 =	vand.u32 $0xFFFFFE00, v2;
	v8 =	vand.u32 $0x7F, v11;
	v11 =	vand.u32 $0xFFFFFE00, v14  }
0x5d: {  	v16 =	vld [tilespmem:s23+$0x80];
	v3 =	vor.u32 v3, v10;
	v14 =	vor.u32 v5, v13;
	v5 =	vadd.s32 v5, v18  }
0x5e: {  	v18 =	vadd.s32 v11, v20;
	v20 =	vld [tilespmem:s24+$0x80];
	v4 =	vor.u32 v4, v5;
	v5 =	vand.u32 $0x180, v6  }
0x5f: {  	v7 =	vor.u32 v7, v3;
	v3 =	vor.u32 v11, v8;
	v5 =	vor.u32 v5, v18;
	v18 =	vld [tilespmem:s21+$0x80]  }
0x60: {  	v2 =	vld [tilespmem:s19+$0x0];
	v24 =	vor.u32 $0x180, v9;
	v28 =	vor.u32 $0x180, v14;
	v9 =	vor.u32 $0x180, v3  }
0x61: {  	v25 =	vor.u32 v13, v4;
	v13 =	vld.idx.msk [tilespmem:v19+s12+$0x0], $0xffff;
	v19 =	vshll.u32 v23, $0x7;
	v26 =	vor.u32 v8, v5  }
0x62: {  	v10 =	vld.idx.msk [tilespmem:v22+s12+$0x0], $0xffff;
	v4 =	vshll.u32 v16, $0x2;
	v3 =	vand.u32 $0x7F, v16;
	v16 =	vshrl.u32 v23, $0x2  }
0x63: {  	v14 =	vld.idx.msk [tilespmem:v21+s12+$0x0], $0xffff;
	v19 =	vand.u32 $0x180, v19;
	v11 =	vand.u32 $0xFFFFFE00, v4;
	v5 =	vshll.u32 v20, $0x2  }
0x64: {  	v4 =	vand.u32 $0x7F, v20;
	[tilespmem:v7+s14+$0x0] =	vst.idx.add.f32.msk $0xffff, v1;
	v12 =	vand.u32 $0xFFFFFE00, v5;
	v5 =	vand.u32 $0x7F, v18  }
0x65: {  	[tilespmem:v24+s14+$0x0] =	vst.idx.add.f32.msk $0xffff, v15;
	v8 =	vshll.u32 v18, $0x2;
	v18 =	vmul.u32 $0x9E00, v16;
	v16 =	vshll.u32 v27, $0x2  }
0x66: {  	v6 =	vor.u32 v11, v3;
	v7 =	vor.u32 v12, v4;
	[tilespmem:v25+s14+$0x0] =	vst.idx.add.f32.msk $0xffff, v1;
	v15 =	vand.u32 $0xFFFFFE00, v16  }
0x67: {  	v8 =	vand.u32 $0xFFFFFE00, v8;
	v16 =	vshrl.u32 v13, $0x2;
	[tilespmem:v28+s14+$0x0] =	vst.idx.add.f32.msk $0xffff, v17;
	v20 =	vadd.s32 v15, v18  }
0x68: {  	s21 =	simm.s32 $0x40;
	v17 =	vshrl.u32 v14, $0x2;
	[tilespmem:v26+s14+$0x0] =	vst.idx.add.f32.msk $0xffff, v1;
	v18 =	vand.u32 $0x7F, v27;
	v19 =	vor.u32 v19, v20  }
.LBB2_4:
0x69: {  	s22 =	sadd.s32 s21, s9;
	v20 =	vshrl.u32 v10, $0x2;
	v19 =	vor.u32 v18, v19;
	v15 =	vor.u32 v15, v18;
	[tilespmem:v9+s14+$0x0] =	vst.idx.add.f32.msk $0xffff, v2;
	s19 =	sadd.s32 $0x40, s19  }
0x6a: {  	v2 =	vmul.u32 $0x9E00, v16;
	v9 =	vmul.u32 $0x9E00, v17;
	s20 =	sadd.s32 $0x80, s20;
	s23 =	sadd.s32 $0x40, s22;
	s24 =	sadd.s32 $0x70, s22;
	v16 =	vld [tilespmem:s19+$0x10];
	v15 =	vor.u32 $0x180, v15  }
0x6b: {  	s21 =	sadd.s32 $0x40, s21;
	v13 =	vshll.u32 v13, $0x7;
	v14 =	vshll.u32 v14, $0x7;
	s25 =	sand.u32 $0xFF00, s20;
	v18 =	vmul.u32 $0x9E00, v20;
	s24 =	sand.u32 $0x70, s24;
	v17 =	vld [tilespmem:s19+$0xFFFFFFE0]  }
0x6c: {  	v10 =	vshll.u32 v10, $0x7;
	s26 =	sadd.s32 $0x50, s22;
	p0 =	slt.u32 s21, $0x26C0;
	v2 =	vadd.s32 v11, v2;
	v9 =	vadd.s32 v12, v9;
	s24 =	sor.u32 s24, s25;
	v20 =	vld [tilespmem:s19+$0xFFFFFFF0]  }
0x6d: {  	s28 =	sadd.s32 $0xFFFFFFC0, s20;
	s22 =	sadd.s32 $0x60, s22;
	v12 =	vand.u32 $0x180, v13;
	v13 =	vand.u32 $0x180, v14;
	s25 =	sadd.s32 $0xFFFFFFA0, s20;
	v14 =	vadd.s32 v8, v18;
	v11 =	vld [tilespmem:s24+$0x0]  }
0x6e: {  	s29 =	sadd.s32 $0xFFFFFFE0, s20;
	v10 =	vand.u32 $0x180, v10;
	s23 =	sand.u32 $0x70, s23;
	s26 =	sand.u32 $0x70, s26;
	v2 =	vor.u32 v12, v2;
	v9 =	vor.u32 v13, v9;
	[tilespmem:v19+s14+$0x0] =	vst.idx.add.f32.msk $0xffff, v1  }
0x6f: {  	s28 =	sand.u32 $0xFF00, s28;
	s22 =	sand.u32 $0x70, s22;
	v18 =	vor.u32 $0x180, v6;
	v8 =	vor.u32 v8, v5;
	s25 =	sand.u32 $0xFF00, s25;
	v6 =	vor.u32 v10, v14;
	[tilespmem:v15+s14+$0x0] =	vst.idx.add.f32.msk $0xffff, v16  }
0x70: {  	s23 =	sor.u32 s23, s25;
	s25 =	sor.u32 s26, s28;
	s26 =	sand.u32 $0xFF00, s29;
	v21 =	vor.u32 v5, v6;
	v15 =	vor.u32 v3, v2;
	v16 =	vor.u32 v4, v9;
	v2 =	vld [tilespmem:s19+$0x0]  }
0x71: {  	v19 =	vor.u32 $0x180, v7;
	s22 =	sor.u32 s22, s26;
	v9 =	vor.u32 $0x180, v8;
	v3 =	vld [tilespmem:s23+$0x0]  }
0x72: {  	v4 =	vld [tilespmem:s25+$0x0]  }
0x73: {  	v5 =	vld [tilespmem:s22+$0x0]  }
0x74: {  	v6 =	vld [tilespmem:s23+$0x80]  }
0x75: {  	v7 =	vld [tilespmem:s25+$0x80]  }
0x76: {  	v22 =	vld.idx.msk [tilespmem:v11+s12+$0x0], $0xffff  }
0x77: {  	v8 =	vld [tilespmem:s22+$0x80]  }
0x78: {  	v23 =	vld [tilespmem:s24+$0x80]  }
0x79: {  	v13 =	vld.idx.msk [tilespmem:v3+s12+$0x0], $0xffff;
	v3 =	vand.u32 $0x7F, v6;
	v6 =	vshll.u32 v6, $0x2  }
0x7a: {  	v11 =	vand.u32 $0xFFFFFE00, v6;
	v14 =	vld.idx.msk [tilespmem:v4+s12+$0x0], $0xffff;
	v4 =	vand.u32 $0x7F, v7;
	v7 =	vshll.u32 v7, $0x2  }
0x7b: {  	v6 =	vor.u32 v11, v3;
	v12 =	vand.u32 $0xFFFFFE00, v7;
	v10 =	vld.idx.msk [tilespmem:v5+s12+$0x0], $0xffff  }
.Ltmp1:
0x7c: {  	v24 =	vshrl.u32 v22, $0x2;
	v5 =	vand.u32 $0x7F, v8;
	v7 =	vshll.u32 v8, $0x2;
	[tilespmem:v15+s14+$0x0] =	vst.idx.add.f32.msk $0xffff, v1;
	(pc) =	sbr.rel @p0 .LBB2_4-.Ltmp1, $4  }
0x7d: {  	v24 =	vmul.u32 $0x9E00, v24;
	v8 =	vand.u32 $0xFFFFFE00, v7;
	v15 =	vshll.u32 v23, $0x2;
	[tilespmem:v18+s14+$0x0] =	vst.idx.add.f32.msk $0xffff, v17  }
0x7e: {  	v7 =	vor.u32 v12, v4;
	v17 =	vshll.u32 v22, $0x7;
	v15 =	vand.u32 $0xFFFFFE00, v15;
	[tilespmem:v16+s14+$0x0] =	vst.idx.add.f32.msk $0xffff, v1  }
0x7f: {  	v16 =	vshrl.u32 v13, $0x2;
	v22 =	vadd.s32 v15, v24;
	v24 =	vand.u32 $0x180, v17;
	[tilespmem:v19+s14+$0x0] =	vst.idx.add.f32.msk $0xffff, v20  }
0x80: {  	v18 =	vand.u32 $0x7F, v23;
	v17 =	vshrl.u32 v14, $0x2;
	v19 =	vor.u32 v24, v22;
	[tilespmem:v21+s14+$0x0] =	vst.idx.add.f32.msk $0xffff, v1  }
0x81: {  	_ =	sdelay $0x1  }
0x82: {  	v20 =	vshrl.u32 v10, $0x2  }
0x83: {  	v19 =	vor.u32 v18, v19;
	v16 =	vmul.u32 $0x9E00, v16;
	v15 =	vor.u32 v15, v18  }
0x84: {  	v17 =	vmul.u32 $0x9E00, v17;
	v13 =	vshll.u32 v13, $0x7;
	[tilespmem:v9+s14+$0x0] =	vst.idx.add.f32.msk $0xffff, v2;
	v2 =	vshll.u32 v14, $0x7  }
0x85: {  	s19 =	sadd.s32 $0x40, s19;
	v15 =	vor.u32 $0x180, v15;
	v13 =	vand.u32 $0x180, v13;
	v11 =	vadd.s32 v11, v16  }
0x86: {  	v52 =	vld [tilespmem:s19+$0x10];
	v2 =	vand.u32 $0x180, v2;
	v12 =	vadd.s32 v12, v17;
	v11 =	vor.u32 v13, v11  }
0x87: {  	v53 =	vmul.u32 $0x9E00, v20;
	v54 =	vld [tilespmem:s19+$0xFFFFFFE0];
	v2 =	vor.u32 v2, v12;
	v3 =	vor.u32 v3, v11  }
0x88: {  	v56 =	vshll.u32 v10, $0x7;
	v55 =	vld [tilespmem:s19+$0xFFFFFFF0];
	v2 =	vor.u32 v4, v2  }
0x89: {  	v6 =	vor.u32 $0x180, v6;
	v10 =	vand.u32 $0x180, v56;
	v59 =	vld [tilespmem:s19+$0x0];
	v9 =	vadd.s32 v8, v53  }
0x8a: {  	v7 =	vor.u32 $0x180, v7;
	v57 =	vor.u32 v10, v9;
	[tilespmem:v19+s14+$0x0] =	vst.idx.add.f32.msk $0xffff, v1  }
0x8b: {  	v58 =	vor.u32 v8, v5;
	v4 =	vor.u32 v5, v57;
	[tilespmem:v15+s14+$0x0] =	vst.idx.add.f32.msk $0xffff, v52  }
0x8c: {  	v60 =	vor.u32 $0x180, v58;
	[tilespmem:v3+s14+$0x0] =	vst.idx.add.f32.msk $0xffff, v1  }
0x8d: {  	[tilespmem:v2+s14+$0x0] =	vst.idx.add.f32.msk $0xffff, v1  }
0x8e: {  	[tilespmem:v6+s14+$0x0] =	vst.idx.add.f32.msk $0xffff, v54  }
0x8f: {  	[tilespmem:v7+s14+$0x0] =	vst.idx.add.f32.msk $0xffff, v55  }
0x90: {  	[tilespmem:v4+s14+$0x0] =	vst.idx.add.f32.msk $0xffff, v1  }
0x91: {  	[tilespmem:v60+s14+$0x0] =	vst.idx.add.f32.msk $0xffff, v59  }
0x92: {  	v2 =	vld [tilespmem:s4+$0x4E00];
	_ =	sdelay $0x7  }
0x93: {  	v2 =	vld.idx.msk [tilespmem:v2+s12+$0x0], $0xffff  }
0x94: {  	v3 =	vld [tilespmem:s4+$0x4E80];
	_ =	sdelay $0x3  }
0x95: {  	v61 =	vshrl.u32 v2, $0x2  }
0x96: {  	v62 =	vshll.u32 v3, $0x2;
	v4 =	vmul.u32 $0x9E00, v61  }
0x97: {  	v5 =	vand.u32 $0xFFFFFE00, v62;
	v2 =	vshll.u32 v2, $0x7  }
0x98: {  	v2 =	vand.u32 $0x180, v2;
	v4 =	vadd.s32 v5, v4  }
0x99: {  	v3 =	vand.u32 $0x7F, v3;
	v2 =	vor.u32 v2, v4  }
0x9a: {  	v2 =	vor.u32 v3, v2;
	v3 =	vor.u32 v5, v3  }
0x9b: {  	v63 =	vld [tilespmem:$0x7600];
	v3 =	vor.u32 $0x180, v3;
	_ =	sdelay $0x2  }
0x9c: {  	s18 =	sadd.s32 $0x1, s18  }
0x9d: {  	p0 =	sne.s32 s18, s8;
	[tilespmem:v2+s14+$0x0] =	vst.idx.add.f32.msk $0xffff, v1  }
.Ltmp2:
0x9e: {  	[tilespmem:v3+s14+$0x0] =	vst.idx.add.f32.msk $0xffff, v63;
	(pc) =	sbr.rel @p0 .LBB2_1-.Ltmp2, $4  }
0x9f: {  	[hbm4b:s7+s15] =	stream.strided.scatter [tilespmem:s14], [sflag:$0x2], $0x9E00, s16, s15, $0x38;
	[tilespmem:$0x13C00] =	vst v63  }
0xa0: {  	_ =	swait.ge [sflag:s17], $0x9E00  }
0xa1: {  	[sflag:s17] =	ssyncset.done $0x0  }
0xa2: {  	[sflag:s17] =	ssyncadd.s32 $0xFFFF6200  }
0xa3: {  	_ =	sfence.sel $0x180000  }
0xa4: {  	[bflag:$0x0] =	sbarrier.arrive $0xFFFF  }
0xa5: {  	p0 =	sne.s32 s2, $0x0;
	_ =	strace $0x90000047  }
0xa6: {  	s0 =	sadd.s32 @!p0 $0x100000, s0;
	[bflag:$0x2] =	sbarrier.arrive $0xFFFF  }
0xa7: {  	[sflag:s0] =	ssyncadd.tile.s32 @!p0 $0x1;
	_ =	shalt  }
.Lfunc_end2:
_tile_overlayer_lowered:
.L_overlay_start_2:
0xa8: {  	(tag) =	ssettag $0x2  }
0xa9: {  	s0 =	rddreg [dreg:$0x0];
	s2 =	stileid.u32  }
0xaa: {  	s1 =	rddreg [dreg:$0x1];
	p0 =	sne.s32 s2, $0x0  }
0xab: {  	s3 =	rddreg [dreg:$0x2];
	[bflag:$0x3] =	sbarrier.arrive $0xFFFF;
	s2 =	simm.s32 @!p0 $0x1C02  }
0xac: {  	[timem:s3], [sflag:s2] =	dma.local @!p0 [hbm:s0], s1  }
0xad: {  	s0 =	simm.s32 @!p0 $0x2  }
0xae: {  	_ =	swait.ge @!p0 [sflag:s0], s1  }
0xaf: {  	s1 =	ssub.s32 @!p0 $0x0, s1;
	[sflag:s0] =	ssyncset.done @!p0 $0x0  }
0xb0: {  	[sflag:s0] =	ssyncadd.s32 @!p0 s1  }
0xb1: {  	[bflag:$0x3] =	sbarrier.arrive $0xFFFF  }
0xb2: {  	_ =	shalt  }

</sc_bundles>
